<compile_context>
chip_gen: v7x
topology: tpu7x:2x2x1
jax: 0.10.2.dev20260603
libtpu: 0.0.44.dev20260713+nightly
codegen_flags: <defaults>
</compile_context>

<pallas_src>
import functools

import jax
import jax.numpy as jnp
from jax.experimental import pallas as pl
from jax.experimental.pallas import tpu as pltpu
from jax.experimental.pallas import tpu_sc as plsc

EMBED_DIM = 16
NIDX = 16
LANES = 128
HALF = 8


@functools.partial(
    pl.kernel,
    out_type=jax.ShapeDtypeStruct((EMBED_DIM,), jnp.float32),
    mesh=plsc.ScalarSubcoreMesh(axis_name="c", num_cores=1),
    scratch_types=[
        pltpu.SMEM((NIDX,), jnp.int32),
        pltpu.SMEM((HALF, LANES), jnp.float32),
        pltpu.SMEM((HALF, LANES), jnp.float32),
        pltpu.SemaphoreType.DMA,
        pltpu.SemaphoreType.DMA,
        pltpu.SMEM((EMBED_DIM,), jnp.float32),
    ],
)
def _row_lookup(
    table_t_hbm, ids_t_hbm, out_hbm, idx_s, win0_s, win1_s, sem0, sem1, out_s
):
    pltpu.sync_copy(ids_t_hbm.at[0, pl.ds(0, NIDX)], idx_s)
    idx = idx_s[0]
    base = pl.multiple_of((idx // LANES) * LANES, LANES)
    col = idx - base
    c0 = pltpu.async_copy(
        table_t_hbm.at[pl.ds(0, HALF), pl.ds(base, LANES)], win0_s, sem0
    )
    c1 = pltpu.async_copy(
        table_t_hbm.at[pl.ds(HALF, HALF), pl.ds(base, LANES)], win1_s, sem1
    )
    c0.wait()
    for r in range(HALF):
        out_s[r] = win0_s[r, col]
    c1.wait()
    for r in range(HALF):
        out_s[HALF + r] = win1_s[r, col]
    pltpu.sync_copy(out_s, out_hbm)


def kernel(ids, table):
    return _row_lookup(table.T, ids.T.astype(jnp.int32))

# --- scband reference (transcript-rebuilt; emitter-appended) ---
"""Pipeline reference for scband-embedding-lookup-77936476553873 (READ-ONLY COPY).

The authoritative reference and input builder live on the scoring server;
editing this copy changes nothing except your own understanding.
"""

import jax, jax.numpy as jnp
import numpy as np

VOCAB = 1000000
EMBED_DIM = 16
BATCH = 4096
TOKENS_PER_STR = 50

def setup_inputs(seed: int = 0) -> dict:
    key = jax.random.key(seed)
    k1, k2 = jax.random.split(key)
    # ids: stand-in for the string-split + StaticHashTable.lookup result.
    # Values in [0, VOCAB] inclusive; id == VOCAB is the OOV default row
    # (default_value = len(vocabulary) in the original module).
    ids = jax.random.randint(k1, (BATCH, TOKENS_PER_STR), 0, VOCAB + 1, dtype=jnp.int64)
    # Embedding table passed to __init__; needs VOCAB+1 rows to cover the OOV id.
    table = jax.random.normal(k2, (VOCAB + 1, EMBED_DIM), dtype=jnp.float32)
    return {"ids": ids, "table": table}

def reference(ids, table):
    # tf.nn.embedding_lookup(params=embeddings, ids=ids)
    embeddings = jnp.take(table, ids, axis=0)  # [B, L, D]
    # original returns embeddings[0, 0] -> embedding of first token of first string
    return embeddings[0, 0]

if __name__ == "__main__":
    import jax
    _d = setup_inputs()
    print(jax.jit(kernel)(*tuple(_d.values())))

</pallas_src>

<mosaic_0001>
#map = affine_map<(d0) -> (0, 0)>
#map1 = affine_map<(d0) -> (0)>
module attributes {stable_mosaic.version = 14 : i64} {
  func.func @_row_lookup(%arg0: i32, %arg1: memref<16x1000001xf32, #tpu.memory_space<hbm>>, %arg2: memref<50x4096xi32, #tpu.memory_space<hbm>>, %arg3: memref<16xf32, #tpu.memory_space<hbm>>, %arg4: memref<16xi32, #tpu.memory_space<smem>>, %arg5: memref<8x128xf32, #tpu.memory_space<smem>>, %arg6: memref<8x128xf32, #tpu.memory_space<smem>>, %arg7: memref<!tpu.dma_semaphore, #tpu.memory_space<semaphore_mem>>, %arg8: memref<!tpu.dma_semaphore, #tpu.memory_space<semaphore_mem>>, %arg9: memref<16xf32, #tpu.memory_space<smem>>) attributes {dimension_semantics = [#tpu.dimension_semantics<core_parallel>], iteration_bounds = array<i64: 1>, scalar_prefetch = 0 : i64, scratch_operands = 6 : i64, tpu.core_type = #tpu.core_type<sc_scalar_subcore>, window_params = [{transform_indices = #map}, {transform_indices = #map}, {transform_indices = #map1}]} {
    %run_scoped3A = arith.constant 0 : i32
    "tpu.region"() ({
      %run_scoped3A_137 = tpu.sem_alloc : memref<!tpu.dma_semaphore, #tpu.memory_space<semaphore_mem>>
      %dma_start3A_138 = arith.constant 0 : i32
      %dma_start3A_139 = tpu.memref_slice %arg2[%run_scoped3A, %dma_start3A_138] : memref<50x4096xi32, #tpu.memory_space<hbm>> -> memref<1x16xi32, #tpu.memory_space<hbm>>
      %dma_start3A_140 = tpu.memref_squeeze %dma_start3A_139 : memref<1x16xi32, #tpu.memory_space<hbm>> -> memref<16xi32, #tpu.memory_space<hbm>>
      tpu.enqueue_dma source(%dma_start3A_140 : memref<16xi32, #tpu.memory_space<hbm>>) target(%arg4 : memref<16xi32, #tpu.memory_space<smem>>) target_semaphore(%run_scoped3A_137 : memref<!tpu.dma_semaphore, #tpu.memory_space<semaphore_mem>>)
      %dma_wait3A_141 = arith.constant 0 : i32
      %dma_wait3A_142 = tpu.memref_slice %arg2[%run_scoped3A, %dma_wait3A_141] : memref<50x4096xi32, #tpu.memory_space<hbm>> -> memref<1x16xi32, #tpu.memory_space<hbm>>
      %dma_wait3A_143 = tpu.memref_squeeze %dma_wait3A_142 : memref<1x16xi32, #tpu.memory_space<hbm>> -> memref<16xi32, #tpu.memory_space<hbm>>
      tpu.wait_dma2 semaphore(%run_scoped3A_137 : memref<!tpu.dma_semaphore, #tpu.memory_space<semaphore_mem>>) src(%dma_wait3A_143 : memref<16xi32, #tpu.memory_space<hbm>>) dst(%arg4 : memref<16xi32, #tpu.memory_space<smem>>)
      tpu.yield
    }) : () -> ()
    %get3A = arith.constant 0 : i32
    %get3A_0 = arith.index_cast %get3A : i32 to index
    %get3A_1 = memref.load %arg4[%get3A_0] : memref<16xi32, #tpu.memory_space<smem>>
    %jit3A = arith.constant 128 : i32
    %div3A = arith.divsi %get3A_1, %jit3A : i32
    %sign3A = arith.constant 0 : i32
    %sign3A_2 = arith.cmpi sgt, %get3A_1, %sign3A : i32
    %sign3A_3 = arith.extui %sign3A_2 : i1 to i32
    %sign3A_4 = arith.constant 0 : i32
    %sign3A_5 = arith.cmpi slt, %get3A_1, %sign3A_4 : i32
    %sign3A_6 = arith.extui %sign3A_5 : i1 to i32
    %sign3A_7 = arith.subi %sign3A_3, %sign3A_6 : i32
    %sign3A_8 = arith.constant 0 : i32
    %sign3A_9 = arith.cmpi sgt, %jit3A, %sign3A_8 : i32
    %sign3A_10 = arith.extui %sign3A_9 : i1 to i32
    %sign3A_11 = arith.constant 0 : i32
    %sign3A_12 = arith.cmpi slt, %jit3A, %sign3A_11 : i32
    %sign3A_13 = arith.extui %sign3A_12 : i1 to i32
    %sign3A_14 = arith.subi %sign3A_10, %sign3A_13 : i32
    %ne3A = arith.cmpi ne, %sign3A_7, %sign3A_14 : i32
    %rem3A = arith.remsi %get3A_1, %jit3A : i32
    %ne3A_15 = arith.constant 0 : i32
    %ne3A_16 = arith.cmpi ne, %rem3A, %ne3A_15 : i32
    %and3A = arith.andi %ne3A, %ne3A_16 : i1
    %sub3A = arith.constant 1 : i32
    %sub3A_17 = arith.subi %div3A, %sub3A : i32
    %select_n3A = arith.select %and3A, %sub3A_17, %div3A : i32
    %mul3A = arith.constant 128 : i32
    %mul3A_18 = arith.muli %select_n3A, %mul3A : i32
    %multiple_of3A = tpu.assume_multiple %mul3A_18, 128 : i32
    %sub3A_19 = arith.subi %get3A_1, %multiple_of3A : i32
    %dma_start3A = arith.constant 0 : i32
    %dma_start3A_20 = tpu.memref_slice %arg1[%dma_start3A, %multiple_of3A] : memref<16x1000001xf32, #tpu.memory_space<hbm>> -> memref<8x128xf32, #tpu.memory_space<hbm>>
    tpu.enqueue_dma source(%dma_start3A_20 : memref<8x128xf32, #tpu.memory_space<hbm>>) target(%arg5 : memref<8x128xf32, #tpu.memory_space<smem>>) target_semaphore(%arg7 : memref<!tpu.dma_semaphore, #tpu.memory_space<semaphore_mem>>)
    %dma_start3A_21 = arith.constant 8 : i32
    %dma_start3A_22 = tpu.memref_slice %arg1[%dma_start3A_21, %multiple_of3A] : memref<16x1000001xf32, #tpu.memory_space<hbm>> -> memref<8x128xf32, #tpu.memory_space<hbm>>
    tpu.enqueue_dma source(%dma_start3A_22 : memref<8x128xf32, #tpu.memory_space<hbm>>) target(%arg6 : memref<8x128xf32, #tpu.memory_space<smem>>) target_semaphore(%arg8 : memref<!tpu.dma_semaphore, #tpu.memory_space<semaphore_mem>>)
    %dma_wait3A = arith.constant 0 : i32
    %dma_wait3A_23 = tpu.memref_slice %arg1[%dma_wait3A, %multiple_of3A] : memref<16x1000001xf32, #tpu.memory_space<hbm>> -> memref<8x128xf32, #tpu.memory_space<hbm>>
    tpu.wait_dma2 semaphore(%arg7 : memref<!tpu.dma_semaphore, #tpu.memory_space<semaphore_mem>>) src(%dma_wait3A_23 : memref<8x128xf32, #tpu.memory_space<hbm>>) dst(%arg5 : memref<8x128xf32, #tpu.memory_space<smem>>)
    %get3A_24 = arith.constant 0 : i32
    %get3A_25 = arith.index_cast %get3A_24 : i32 to index
    %get3A_26 = arith.index_cast %sub3A_19 : i32 to index
    %get3A_27 = memref.load %arg5[%get3A_25, %get3A_26] : memref<8x128xf32, #tpu.memory_space<smem>>
    %swap3A = arith.constant 0 : i32
    %swap3A_28 = arith.index_cast %swap3A : i32 to index
    %swap3A_29 = memref.load %arg9[%swap3A_28] : memref<16xf32, #tpu.memory_space<smem>>
    memref.store %get3A_27, %arg9[%swap3A_28] : memref<16xf32, #tpu.memory_space<smem>>
    %get3A_30 = arith.constant 1 : i32
    %get3A_31 = arith.index_cast %get3A_30 : i32 to index
    %get3A_32 = arith.index_cast %sub3A_19 : i32 to index
    %get3A_33 = memref.load %arg5[%get3A_31, %get3A_32] : memref<8x128xf32, #tpu.memory_space<smem>>
    %swap3A_34 = arith.constant 1 : i32
    %swap3A_35 = arith.index_cast %swap3A_34 : i32 to index
    %swap3A_36 = memref.load %arg9[%swap3A_35] : memref<16xf32, #tpu.memory_space<smem>>
    memref.store %get3A_33, %arg9[%swap3A_35] : memref<16xf32, #tpu.memory_space<smem>>
    %get3A_37 = arith.constant 2 : i32
    %get3A_38 = arith.index_cast %get3A_37 : i32 to index
    %get3A_39 = arith.index_cast %sub3A_19 : i32 to index
    %get3A_40 = memref.load %arg5[%get3A_38, %get3A_39] : memref<8x128xf32, #tpu.memory_space<smem>>
    %swap3A_41 = arith.constant 2 : i32
    %swap3A_42 = arith.index_cast %swap3A_41 : i32 to index
    %swap3A_43 = memref.load %arg9[%swap3A_42] : memref<16xf32, #tpu.memory_space<smem>>
    memref.store %get3A_40, %arg9[%swap3A_42] : memref<16xf32, #tpu.memory_space<smem>>
    %get3A_44 = arith.constant 3 : i32
    %get3A_45 = arith.index_cast %get3A_44 : i32 to index
    %get3A_46 = arith.index_cast %sub3A_19 : i32 to index
    %get3A_47 = memref.load %arg5[%get3A_45, %get3A_46] : memref<8x128xf32, #tpu.memory_space<smem>>
    %swap3A_48 = arith.constant 3 : i32
    %swap3A_49 = arith.index_cast %swap3A_48 : i32 to index
    %swap3A_50 = memref.load %arg9[%swap3A_49] : memref<16xf32, #tpu.memory_space<smem>>
    memref.store %get3A_47, %arg9[%swap3A_49] : memref<16xf32, #tpu.memory_space<smem>>
    %get3A_51 = arith.constant 4 : i32
    %get3A_52 = arith.index_cast %get3A_51 : i32 to index
    %get3A_53 = arith.index_cast %sub3A_19 : i32 to index
    %get3A_54 = memref.load %arg5[%get3A_52, %get3A_53] : memref<8x128xf32, #tpu.memory_space<smem>>
    %swap3A_55 = arith.constant 4 : i32
    %swap3A_56 = arith.index_cast %swap3A_55 : i32 to index
    %swap3A_57 = memref.load %arg9[%swap3A_56] : memref<16xf32, #tpu.memory_space<smem>>
    memref.store %get3A_54, %arg9[%swap3A_56] : memref<16xf32, #tpu.memory_space<smem>>
    %get3A_58 = arith.constant 5 : i32
    %get3A_59 = arith.index_cast %get3A_58 : i32 to index
    %get3A_60 = arith.index_cast %sub3A_19 : i32 to index
    %get3A_61 = memref.load %arg5[%get3A_59, %get3A_60] : memref<8x128xf32, #tpu.memory_space<smem>>
    %swap3A_62 = arith.constant 5 : i32
    %swap3A_63 = arith.index_cast %swap3A_62 : i32 to index
    %swap3A_64 = memref.load %arg9[%swap3A_63] : memref<16xf32, #tpu.memory_space<smem>>
    memref.store %get3A_61, %arg9[%swap3A_63] : memref<16xf32, #tpu.memory_space<smem>>
    %get3A_65 = arith.constant 6 : i32
    %get3A_66 = arith.index_cast %get3A_65 : i32 to index
    %get3A_67 = arith.index_cast %sub3A_19 : i32 to index
    %get3A_68 = memref.load %arg5[%get3A_66, %get3A_67] : memref<8x128xf32, #tpu.memory_space<smem>>
    %swap3A_69 = arith.constant 6 : i32
    %swap3A_70 = arith.index_cast %swap3A_69 : i32 to index
    %swap3A_71 = memref.load %arg9[%swap3A_70] : memref<16xf32, #tpu.memory_space<smem>>
    memref.store %get3A_68, %arg9[%swap3A_70] : memref<16xf32, #tpu.memory_space<smem>>
    %get3A_72 = arith.constant 7 : i32
    %get3A_73 = arith.index_cast %get3A_72 : i32 to index
    %get3A_74 = arith.index_cast %sub3A_19 : i32 to index
    %get3A_75 = memref.load %arg5[%get3A_73, %get3A_74] : memref<8x128xf32, #tpu.memory_space<smem>>
    %swap3A_76 = arith.constant 7 : i32
    %swap3A_77 = arith.index_cast %swap3A_76 : i32 to index
    %swap3A_78 = memref.load %arg9[%swap3A_77] : memref<16xf32, #tpu.memory_space<smem>>
    memref.store %get3A_75, %arg9[%swap3A_77] : memref<16xf32, #tpu.memory_space<smem>>
    %dma_wait3A_79 = arith.constant 8 : i32
    %dma_wait3A_80 = tpu.memref_slice %arg1[%dma_wait3A_79, %multiple_of3A] : memref<16x1000001xf32, #tpu.memory_space<hbm>> -> memref<8x128xf32, #tpu.memory_space<hbm>>
    tpu.wait_dma2 semaphore(%arg8 : memref<!tpu.dma_semaphore, #tpu.memory_space<semaphore_mem>>) src(%dma_wait3A_80 : memref<8x128xf32, #tpu.memory_space<hbm>>) dst(%arg6 : memref<8x128xf32, #tpu.memory_space<smem>>)
    %get3A_81 = arith.constant 0 : i32
    %get3A_82 = arith.index_cast %get3A_81 : i32 to index
    %get3A_83 = arith.index_cast %sub3A_19 : i32 to index
    %get3A_84 = memref.load %arg6[%get3A_82, %get3A_83] : memref<8x128xf32, #tpu.memory_space<smem>>
    %swap3A_85 = arith.constant 8 : i32
    %swap3A_86 = arith.index_cast %swap3A_85 : i32 to index
    %swap3A_87 = memref.load %arg9[%swap3A_86] : memref<16xf32, #tpu.memory_space<smem>>
    memref.store %get3A_84, %arg9[%swap3A_86] : memref<16xf32, #tpu.memory_space<smem>>
    %get3A_88 = arith.constant 1 : i32
    %get3A_89 = arith.index_cast %get3A_88 : i32 to index
    %get3A_90 = arith.index_cast %sub3A_19 : i32 to index
    %get3A_91 = memref.load %arg6[%get3A_89, %get3A_90] : memref<8x128xf32, #tpu.memory_space<smem>>
    %swap3A_92 = arith.constant 9 : i32
    %swap3A_93 = arith.index_cast %swap3A_92 : i32 to index
    %swap3A_94 = memref.load %arg9[%swap3A_93] : memref<16xf32, #tpu.memory_space<smem>>
    memref.store %get3A_91, %arg9[%swap3A_93] : memref<16xf32, #tpu.memory_space<smem>>
    %get3A_95 = arith.constant 2 : i32
    %get3A_96 = arith.index_cast %get3A_95 : i32 to index
    %get3A_97 = arith.index_cast %sub3A_19 : i32 to index
    %get3A_98 = memref.load %arg6[%get3A_96, %get3A_97] : memref<8x128xf32, #tpu.memory_space<smem>>
    %swap3A_99 = arith.constant 10 : i32
    %swap3A_100 = arith.index_cast %swap3A_99 : i32 to index
    %swap3A_101 = memref.load %arg9[%swap3A_100] : memref<16xf32, #tpu.memory_space<smem>>
    memref.store %get3A_98, %arg9[%swap3A_100] : memref<16xf32, #tpu.memory_space<smem>>
    %get3A_102 = arith.constant 3 : i32
    %get3A_103 = arith.index_cast %get3A_102 : i32 to index
    %get3A_104 = arith.index_cast %sub3A_19 : i32 to index
    %get3A_105 = memref.load %arg6[%get3A_103, %get3A_104] : memref<8x128xf32, #tpu.memory_space<smem>>
    %swap3A_106 = arith.constant 11 : i32
    %swap3A_107 = arith.index_cast %swap3A_106 : i32 to index
    %swap3A_108 = memref.load %arg9[%swap3A_107] : memref<16xf32, #tpu.memory_space<smem>>
    memref.store %get3A_105, %arg9[%swap3A_107] : memref<16xf32, #tpu.memory_space<smem>>
    %get3A_109 = arith.constant 4 : i32
    %get3A_110 = arith.index_cast %get3A_109 : i32 to index
    %get3A_111 = arith.index_cast %sub3A_19 : i32 to index
    %get3A_112 = memref.load %arg6[%get3A_110, %get3A_111] : memref<8x128xf32, #tpu.memory_space<smem>>
    %swap3A_113 = arith.constant 12 : i32
    %swap3A_114 = arith.index_cast %swap3A_113 : i32 to index
    %swap3A_115 = memref.load %arg9[%swap3A_114] : memref<16xf32, #tpu.memory_space<smem>>
    memref.store %get3A_112, %arg9[%swap3A_114] : memref<16xf32, #tpu.memory_space<smem>>
    %get3A_116 = arith.constant 5 : i32
    %get3A_117 = arith.index_cast %get3A_116 : i32 to index
    %get3A_118 = arith.index_cast %sub3A_19 : i32 to index
    %get3A_119 = memref.load %arg6[%get3A_117, %get3A_118] : memref<8x128xf32, #tpu.memory_space<smem>>
    %swap3A_120 = arith.constant 13 : i32
    %swap3A_121 = arith.index_cast %swap3A_120 : i32 to index
    %swap3A_122 = memref.load %arg9[%swap3A_121] : memref<16xf32, #tpu.memory_space<smem>>
    memref.store %get3A_119, %arg9[%swap3A_121] : memref<16xf32, #tpu.memory_space<smem>>
    %get3A_123 = arith.constant 6 : i32
    %get3A_124 = arith.index_cast %get3A_123 : i32 to index
    %get3A_125 = arith.index_cast %sub3A_19 : i32 to index
    %get3A_126 = memref.load %arg6[%get3A_124, %get3A_125] : memref<8x128xf32, #tpu.memory_space<smem>>
    %swap3A_127 = arith.constant 14 : i32
    %swap3A_128 = arith.index_cast %swap3A_127 : i32 to index
    %swap3A_129 = memref.load %arg9[%swap3A_128] : memref<16xf32, #tpu.memory_space<smem>>
    memref.store %get3A_126, %arg9[%swap3A_128] : memref<16xf32, #tpu.memory_space<smem>>
    %get3A_130 = arith.constant 7 : i32
    %get3A_131 = arith.index_cast %get3A_130 : i32 to index
    %get3A_132 = arith.index_cast %sub3A_19 : i32 to index
    %get3A_133 = memref.load %arg6[%get3A_131, %get3A_132] : memref<8x128xf32, #tpu.memory_space<smem>>
    %swap3A_134 = arith.constant 15 : i32
    %swap3A_135 = arith.index_cast %swap3A_134 : i32 to index
    %swap3A_136 = memref.load %arg9[%swap3A_135] : memref<16xf32, #tpu.memory_space<smem>>
    memref.store %get3A_133, %arg9[%swap3A_135] : memref<16xf32, #tpu.memory_space<smem>>
    "tpu.region"() ({
      %run_scoped3A_137 = tpu.sem_alloc : memref<!tpu.dma_semaphore, #tpu.memory_space<semaphore_mem>>
      tpu.enqueue_dma source(%arg9 : memref<16xf32, #tpu.memory_space<smem>>) target(%arg3 : memref<16xf32, #tpu.memory_space<hbm>>) target_semaphore(%run_scoped3A_137 : memref<!tpu.dma_semaphore, #tpu.memory_space<semaphore_mem>>)
      tpu.wait_dma2 semaphore(%run_scoped3A_137 : memref<!tpu.dma_semaphore, #tpu.memory_space<semaphore_mem>>) src(%arg9 : memref<16xf32, #tpu.memory_space<smem>>) dst(%arg3 : memref<16xf32, #tpu.memory_space<hbm>>)
      tpu.yield
    }) : () -> ()
    return
  }
}

</mosaic_0001>

<sc_bundles>
// kernel: kernel.3.cloned.1.call-start
scs
__scs_entry_jumppad:
0x0: {  	(pc) =	sbr.rel $0x88, $3  }
0x1: {  	(tag) =	ssettag $0x0;
	lr =	simm.s32 $0x1  }
0x2: {  	[smem:$0x3F9F] =	sst lr;
	_ =	strace $0xD0000000  }
0x3: {  	_ = 	snop  }
0x4: {  	_ = 	snop  }
0x5: {  	_ = 	snop  }
0x6: {  	_ = 	snop  }
0x7: {  	_ = 	snop  }
__scs_overlays_trampoline_lowered:
0x8: {  	[smem:$0x3FAE] =	sst s0  }
0x9: {  	[smem:$0x3FAF] =	sst s1  }
0xa: {  	[smem:$0x3FB0] =	sst s2  }
0xb: {  	[smem:$0x3FB1] =	sst s3  }
0xc: {  	[smem:$0x3FB2] =	sst s4  }
0xd: {  	[smem:$0x3FB3] =	sst s5  }
0xe: {  	[smem:$0x3FB4] =	sst s6  }
0xf: {  	[smem:$0x3FB5] =	sst s7  }
0x10: {  	[smem:$0x3FB6] =	sst s8  }
0x11: {  	[smem:$0x3FB7] =	sst s9;
	s0 =	simm.s32 @!p0 $0x0  }
0x12: {  	s1 =	sld [smem:$0x3F9D];
	s0 =	simm.s32 @p0 $0x1  }
0x13: {  	[smem:$0x3FB8] =	sst s0;
	s0 =	simm.s32 @!p1 $0x0  }
0x14: {  	s2 =	sld [smem:$0x3F9C];
	s0 =	simm.s32 @p1 $0x1  }
0x15: {  	[smem:$0x3FB9] =	sst s0;
	s0 =	simm.s32 @!p2 $0x0  }
0x16: {  	s3 =	sld [smem:$0x3FDB];
	s0 =	simm.s32 @p2 $0x1  }
0x17: {  	s4 =	simm.s32 $0x1BF5;
	[smem:$0x3FBB] =	sst s0  }
0x18: {  	s0 =	sld [smem:$0x3F9E];
	_ =	swait.ge [sflag:s4], $0x0  }
0x19: {  	s7 =	sld [smem:$0x3F9F]  }
0x1a: {  	s8 =	sadd.s32 $0xFFFFE003, lr  }
0x1b: {  	s9 =	sadd.s32 $0xFFFFFEF7, lr;
	s5 =	simm.s32 $0xFFFFFFFF;
	p2 =	slt.u32 s8, $0xFFFFF086  }
0x1c: {  	p1 =	slt.u32 s9, $0xF7A;
	s5 =	simm.s32 @!p2 $0x0  }
0x1d: {  	s5 =	simm.s32 @p1 $0x1;
	p0 =	seq.s32 s7, s2  }
0x1e: {  	s7 =	smul.u32 @!p0 $0xF7A, s2;
	p2 =	seq.s32 @!p0 s5, $0x0  }
0x1f: {  	s9 =	smul.u32 $0xF7A, s1;
	s8 =	simm.s32 @!p0 $0x1BF5;
	p2 =	por !p2, p0  }
0x20: {  	[sflag:s8] =	ssyncset.s32 @!p0 $0xFFFFF086;
	s6 =	sadd.s32 @!p0 s3, s7;
	s7 =	simm.s32 @!p0 $0x108  }
0x21: {  	s3 =	sadd.s32 s3, s9;
	s6 =	sadd.s32 @!p0 $0x88, s6;
	s7 =	simm.s32 @p2 $0x1082  }
0x22: {  	[simem:s7], [sflag:s8] =	dma.local @!p0 [hbm:s6], $0xF7A  }
0x23: {  	s9 =	sor.u32 $0xD0000000, s2;
	s6 =	simm.s32 $0x108;
	_ =	swait.ge @!p0 [sflag:s8], $0x0  }
0x24: {  	s3 =	sadd.s32 $0x88, s3;
	s6 =	simm.s32 @!p1 $0x1082;
	[sflag:s4] =	ssyncset.s32 $0xFFFFF086  }
0x25: {  	[simem:s6], [sflag:s4] =	dma.local [hbm:s3], $0xF7A  }
0x26: {  	[smem:$0x3F9F] =	sst s1;
	(tag) =	ssettag s2;
	_ =	strace s9  }
0x27: {  	s1 =	sld [smem:$0x3FAF]  }
0x28: {  	s2 =	sld [smem:$0x3FB0]  }
0x29: {  	s4 =	sld [smem:$0x3FB2]  }
0x2a: {  	p0 =	seq.s32 s5, $0x0;
	s5 =	sld [smem:$0x3FB3]  }
0x2b: {  	s6 =	sld [smem:$0x3FB4]  }
0x2c: {  	s7 =	sld [smem:$0x3FB5]  }
0x2d: {  	s3 =	simm.s32 $0x108;
	s8 =	sld [smem:$0x3FB6]  }
0x2e: {  	s3 =	simm.s32 @!p0 $0x1082;
	s9 =	sld [smem:$0x3FB7]  }
0x2f: {  	lr =	sadd.s32 s0, s3;
	s0 =	sld [smem:$0x3FAE]  }
0x30: {  	s3 =	sld [smem:$0x3FB1]  }
0x31: {  	[smem:$0x3FBA] =	sst s10  }
0x32: {  	s10 =	sld [smem:$0x3FB8];
	_ =	sdelay $0x3  }
0x33: {  	p0 =	seq.s32 s10, $0x1;
	s10 =	sld [smem:$0x3FBA];
	_ =	sdelay $0x3  }
0x34: {  	[smem:$0x3FBA] =	sst s10  }
0x35: {  	s10 =	sld [smem:$0x3FB9];
	_ =	sdelay $0x3  }
0x36: {  	p1 =	seq.s32 s10, $0x1;
	s10 =	sld [smem:$0x3FBA];
	_ =	sdelay $0x3  }
0x37: {  	[smem:$0x3FBA] =	sst s10  }
0x38: {  	s10 =	sld [smem:$0x3FBB]  }
0x39: {  	_ = 	snop;
	(pc) =	sbr.ind lr, $3  }
0x3a: {  	_ = 	snop  }
0x3b: {  	_ = 	snop  }
0x3c: {  	p2 =	seq.s32 s10, $0x1;
	s10 =	sld [smem:$0x3FBA]  }
0x3d: {  	_ =	shalt  }
0x3e: {  	_ =	shalt  }
0x3f: {  	_ =	shalt  }
0x40: {  	_ =	shalt  }
0x41: {  	_ =	shalt  }
0x42: {  	_ =	shalt  }
0x43: {  	_ =	shalt  }
0x44: {  	_ =	shalt  }
0x45: {  	_ =	shalt  }
0x46: {  	_ =	shalt  }
0x47: {  	_ =	shalt  }
0x48: {  	_ =	shalt  }
0x49: {  	_ =	shalt  }
0x4a: {  	_ =	shalt  }
0x4b: {  	_ =	shalt  }
0x4c: {  	_ =	shalt  }
0x4d: {  	_ =	shalt  }
0x4e: {  	_ =	shalt  }
0x4f: {  	_ =	shalt  }
0x50: {  	_ =	shalt  }
0x51: {  	_ =	shalt  }
0x52: {  	_ =	shalt  }
0x53: {  	_ =	shalt  }
0x54: {  	_ =	shalt  }
0x55: {  	_ =	shalt  }
0x56: {  	_ =	shalt  }
0x57: {  	_ =	shalt  }
0x58: {  	_ =	shalt  }
0x59: {  	_ =	shalt  }
0x5a: {  	_ =	shalt  }
0x5b: {  	_ =	shalt  }
0x5c: {  	_ =	shalt  }
0x5d: {  	_ =	shalt  }
0x5e: {  	_ =	shalt  }
0x5f: {  	_ =	shalt  }
0x60: {  	_ =	shalt  }
0x61: {  	_ =	shalt  }
0x62: {  	_ =	shalt  }
0x63: {  	_ =	shalt  }
0x64: {  	_ =	shalt  }
0x65: {  	_ =	shalt  }
0x66: {  	_ =	shalt  }
0x67: {  	_ =	shalt  }
0x68: {  	_ =	shalt  }
0x69: {  	_ =	shalt  }
0x6a: {  	_ =	shalt  }
0x6b: {  	_ =	shalt  }
0x6c: {  	_ =	shalt  }
0x6d: {  	_ =	shalt  }
0x6e: {  	_ =	shalt  }
0x6f: {  	_ =	shalt  }
0x70: {  	_ =	shalt  }
0x71: {  	_ =	shalt  }
0x72: {  	_ =	shalt  }
0x73: {  	_ =	shalt  }
0x74: {  	_ =	shalt  }
0x75: {  	_ =	shalt  }
0x76: {  	_ =	shalt  }
0x77: {  	_ =	shalt  }
0x78: {  	_ =	shalt  }
0x79: {  	_ =	shalt  }
0x7a: {  	_ =	shalt  }
0x7b: {  	_ =	shalt  }
0x7c: {  	_ =	shalt  }
0x7d: {  	_ =	shalt  }
0x7e: {  	_ =	shalt  }
0x7f: {  	_ =	shalt  }
0x80: {  	_ =	shalt  }
0x81: {  	_ =	shalt  }
0x82: {  	_ =	shalt  }
0x83: {  	_ =	shalt  }
0x84: {  	_ =	shalt  }
0x85: {  	_ =	shalt  }
0x86: {  	_ =	shalt  }
0x87: {  	_ =	shalt  }
.Lfunc_end0:
.L_simem_size_0:
called_computation_lowered:
.L_overlay_start_0:
0x88: {  	s0 =	sld [smem:$0x3FD9]  }
0x89: {  	s1 =	sld [smem:$0x3FFE];
	_ =	sdelay $0x3  }
0x8a: {  	s0 =	sadd.s32 s1, s0  }
0x8b: {  	s15 =	simm.s32 $0x0;
	[smem:$0x3FC6] =	sst s0  }
0x8c: {  	[smem:$0xF] =	sst s15  }
0x8d: {  	s2 =	sld [smem:$0x3FC9]  }
0x8e: {  	s3 =	sld [smem:$0x3FC8]  }
0x8f: {  	s0 =	sld [smem:$0x3FD0];
	(tm) =	ssettm $0x1  }
0x90: {  	s16 =	sld [smem:$0x3FFB];
	_ =	sdelay $0x3  }
0x91: {  	_ =	strace s16  }
0x92: {  	s1 =	sld [smem:$0x3FFC];
	_ =	sdelay $0x3  }
0x93: {  	_ =	strace s1  }
0x94: {  	s1 =	sld [smem:$0x3FFD];
	_ =	sdelay $0x3  }
0x95: {  	_ =	strace s1  }
0x96: {  	s17 =	simm.s32 $0x1B8B;
	_ =	strace $0x8FFFFFFF  }
0x97: {  	_ =	swait.ge [sflag:s17], $0x1  }
0x98: {  	[sflag:s17] =	ssyncset.done $0x0  }
0x99: {  	s18 =	simm.s32 $0x1B8E;
	[sflag:s17] =	ssyncadd.s32 $0xFFFFFFFF  }
0x9a: {  	[smem:$0x3FD2] =	sst s18  }
0x9b: {  	s19 =	simm.s32 $0xB;
	s4 =	simm.s32 $0x10;
	_ =	strace $0x80000046  }
0x9c: {  	[smem:s4], [sflag:s19] =	dma.local [hbm:s2], $0x2  }
0x9d: {  	_ =	swait.ge [sflag:s19], $0x2  }
0x9e: {  	[sflag:s19] =	ssyncset.done $0x0  }
0x9f: {  	[sflag:s19] =	ssyncadd.s32 $0xFFFFFFFE  }
0xa0: {  	s20 =	sld [smem:$0x10];
	_ =	sdelay $0x3  }
0xa1: {  	s21 =	sand.u32 $0x7F, s20  }
0xa2: {  	s5 =	sshra.s32 s20, $0x1F;
	p0 =	slt.s32 s20, $0x1;
	p1 =	sne.s32 s21, $0x0  }
0xa3: {  	s5 =	sshrl.u32 s5, $0x19;
	p0 =	por !p0, !p1  }
0xa4: {  	s6 =	simm.s32 $0x1;
	s5 =	sadd.s32 s5, s20;
	p0 =	por !p0, !p0  }
0xa5: {  	s5 =	sshra.s32 s5, $0x7;
	s6 =	simm.s32 @!p0 $0x0  }
0xa6: {  	s5 =	ssub.s32 s5, s6  }
0xa7: {  	s8 =	simm.s32 $0x9;
	s6 =	sshll.u32 s5, $0xA  }
0xa8: {  	s9 =	simm.s32 $0x90;
	s7 =	sshrl.u32 s6, $0x3;
	s6 =	sadd.s32 $0x7A1400, s6  }
0xa9: {  	s22 =	simm.s32 $0xA;
	s7 =	sadd.s32 s3, s7;
	s6 =	sshrl.u32 s6, $0x3  }
0xaa: {  	[smem:s9], [sflag:s8] =	dma.local [hbm:s7], $0x80  }
0xab: {  	s23 =	simm.s32 $0x490;
	s5 =	sshll.u32 s5, $0x7;
	s3 =	sadd.s32 s3, s6  }
0xac: {  	[smem:s23], [sflag:s22] =	dma.local [hbm:s3], $0x80  }
0xad: {  	s2 =	ssub.s32 s20, s5;
	_ =	swait.ge [sflag:s8], $0x80  }
0xae: {  	s2 =	sand.u32 $0xFFFFFF80, s2;
	[sflag:s8] =	ssyncset.done $0x0  }
0xaf: {  	s2 =	sor.u32 s21, s2;
	[sflag:s8] =	ssyncadd.s32 $0xFFFFFF80  }
0xb0: {  	s24 =	sld [smem:s2+$0x90];
	_ =	sdelay $0x3  }
0xb1: {  	[smem:$0x890] =	sst s24  }
0xb2: {  	s3 =	sld [smem:s2+$0x110];
	_ =	sdelay $0x3  }
0xb3: {  	[smem:$0x891] =	sst s3  }
0xb4: {  	s3 =	sld [smem:s2+$0x190];
	_ =	sdelay $0x3  }
0xb5: {  	[smem:$0x892] =	sst s3  }
0xb6: {  	s3 =	sld [smem:s2+$0x210];
	_ =	sdelay $0x3  }
0xb7: {  	[smem:$0x893] =	sst s3  }
0xb8: {  	s3 =	sld [smem:s2+$0x290];
	_ =	sdelay $0x3  }
0xb9: {  	[smem:$0x894] =	sst s3  }
0xba: {  	s3 =	sld [smem:s2+$0x310];
	_ =	sdelay $0x3  }
0xbb: {  	[smem:$0x895] =	sst s3  }
0xbc: {  	s3 =	sld [smem:s2+$0x390];
	_ =	sdelay $0x3  }
0xbd: {  	[smem:$0x896] =	sst s3  }
0xbe: {  	s3 =	sld [smem:s2+$0x410];
	_ =	sdelay $0x3  }
0xbf: {  	[smem:$0x897] =	sst s3  }
0xc0: {  	_ =	swait.ge [sflag:s22], $0x80  }
0xc1: {  	[sflag:s22] =	ssyncset.done $0x0  }
0xc2: {  	[sflag:s22] =	ssyncadd.s32 $0xFFFFFF80  }
0xc3: {  	s25 =	sld [smem:s2+$0x490];
	_ =	sdelay $0x3  }
0xc4: {  	[smem:$0x898] =	sst s25  }
0xc5: {  	s3 =	sld [smem:s2+$0x510];
	_ =	sdelay $0x3  }
0xc6: {  	[smem:$0x899] =	sst s3  }
0xc7: {  	s3 =	sld [smem:s2+$0x590];
	_ =	sdelay $0x3  }
0xc8: {  	[smem:$0x89A] =	sst s3  }
0xc9: {  	s3 =	sld [smem:s2+$0x610];
	_ =	sdelay $0x3  }
0xca: {  	[smem:$0x89B] =	sst s3  }
0xcb: {  	s3 =	sld [smem:s2+$0x690];
	_ =	sdelay $0x3  }
0xcc: {  	[smem:$0x89C] =	sst s3  }
0xcd: {  	s3 =	sld [smem:s2+$0x710];
	_ =	sdelay $0x3  }
0xce: {  	[smem:$0x89D] =	sst s3  }
0xcf: {  	s3 =	sld [smem:s2+$0x790];
	_ =	sdelay $0x3  }
0xd0: {  	[smem:$0x89E] =	sst s3  }
0xd1: {  	s2 =	sld [smem:s2+$0x810];
	_ =	sdelay $0x3  }
0xd2: {  	s26 =	simm.s32 $0x890;
	[smem:$0x89F] =	sst s2  }
0xd3: {  	[hbm:s0], [sflag:s19] =	dma.local [smem:s26], $0x10  }
0xd4: {  	_ =	swait.ge [sflag:s19], $0x10  }
0xd5: {  	[sflag:s19] =	ssyncset.done $0x0  }
0xd6: {  	[sflag:s19] =	ssyncadd.s32 $0xFFFFFFF0  }
0xd7: {  	_ =	strace $0x90000046  }
0xd8: {  	_ =	sfence  }
0xd9: {  	s28 =	sld [smem:$0x0];
	_ =	sdelay $0x1  }
0xda: {  	s29 =	srdreg.scid  }
0xdb: {  	s30 =	sshll.u32 s29, $0xD;
	s31 =	sshrl.u32 s29, $0x2  }
0xdc: {  	s1 =	sand.u32 $0x1, s29;
	s2 =	sand.u32 $0x4000, s30;
	s0 =	sadd.s32 s31, s28  }
0xdd: {  	s1 =	sor.u32 s2, s1;
	s0 =	sshll.u32 s0, $0x11  }
0xde: {  	s0 =	sor.u32 s0, s1  }
0xdf: {  	s0 =	sadd.s32 $0x8F2B, s0;
	(pc) =	sbr.abs _section_cstart, $3  }
0xe0: {  	[sflag:s0] =	ssyncadd.remote.s32 $0x1  }
0xe1: {  	_ =	strace $0x9FFFFFFF  }
0xe2: {  	(tm) =	ssettm $0x7FFFFFFF  }
0xe3: {  	_ =	shalt  }

</sc_bundles>
